<compile_context>
chip_gen: v7x
topology: tpu7x:2x2x1
jax: 0.10.2.dev20260603
libtpu: 0.0.44.dev20260713+nightly
codegen_flags: <defaults>
</compile_context>

<pallas_src>
import functools

import jax
import jax.numpy as jnp
from jax import lax
from jax.experimental import pallas as pl
from jax.experimental.pallas import tpu as pltpu
from jax.experimental.pallas import tpu_sc as plsc

EMBED = 64
NC = 2
NS = 16
NW = NC * NS

CHUNK = 512


@functools.lru_cache(maxsize=None)
def _build(batch, tlen):
    B = batch * tlen
    b_per_w = B // NW
    nchunks = b_per_w // CHUNK
    chunks_per_j = batch // CHUNK
    assert b_per_w % CHUNK == 0 and batch % CHUNK == 0

    mesh = plsc.VectorSubcoreMesh(core_axis_name="c", subcore_axis_name="s")

    @functools.partial(
        pl.kernel,
        mesh=mesh,
        out_type=jax.ShapeDtypeStruct((batch, tlen, 128), jnp.float32),
        compiler_params=pltpu.CompilerParams(use_tc_tiling_on_sc=False),
        scratch_types=[
            pltpu.VMEM((b_per_w,), jnp.int32),
            pltpu.VMEM((CHUNK, EMBED), jnp.float32),
            pltpu.VMEM((CHUNK, EMBED), jnp.float32),
            pltpu.SemaphoreType.DMA,
            pltpu.SemaphoreType.DMA,
            pltpu.SemaphoreType.DMA,
            pltpu.SemaphoreType.DMA,
        ],
    )
    def k(table_hbm, idx_hbm, out_hbm, idx_v, r0, r1, sg0, sg1, so0, so1):
        wid = lax.axis_index("s") * NC + lax.axis_index("c")
        base = wid * b_per_w
        pltpu.sync_copy(idx_hbm.at[pl.ds(base, b_per_w)], idx_v)
        rows = (r0, r1)
        gsem = (sg0, sg1)
        osem = (so0, so1)

        def gather(g, buf):
            off = pl.multiple_of(g * CHUNK, 8)
            return pltpu.async_copy(
                table_hbm.at[idx_v.at[pl.ds(off, CHUNK)]], rows[buf],
                gsem[buf],
            )

        def _dst(g):
            c = wid * nchunks + g
            j = c // chunks_per_j
            i0 = (c % chunks_per_j) * CHUNK
            return out_hbm.at[pl.ds(i0, CHUNK), j, pl.ds(0, EMBED)]

        def out_copy(g, buf):
            return pltpu.async_copy(rows[buf], _dst(g), osem[buf])

        def drain_out(g, buf):
            pltpu.make_async_copy(rows[buf], _dst(g), osem[buf]).wait()

        def body(i, carry):
            for b in (0, 1):
                g = 2 * i + b

                @pl.when(i > 0)
                def _():
                    drain_out(g, b)

                gather(g, b).wait()
                out_copy(g, b)
            return carry

        lax.fori_loop(0, nchunks // 2, body, 0)
        for b in (0, 1):
            drain_out(nchunks - 2 + b, b)

    return k


@jax.jit
def kernel(x, table):
    b, t = x.shape
    flat = x.T.reshape(b * t)
    outp = _build(b, t)(table, flat)
    return outp[:, :, :EMBED]

# --- scband reference (transcript-rebuilt; emitter-appended) ---
"""Pipeline reference for scband-embeds-13185549598765 (READ-ONLY COPY).

The authoritative reference and input builder live on the scoring server;
editing this copy changes nothing except your own understanding.
"""

import jax, jax.numpy as jnp
import numpy as np

VOCAB = 1000000
EMBED = 64
BATCH = 4096
TLEN = 200

def setup_inputs(seed: int = 0) -> dict:
    key = jax.random.key(seed)
    k1, k2 = jax.random.split(key)
    x = jax.random.randint(k1, (BATCH, TLEN), 0, VOCAB, dtype=jnp.int64 if jax.config.jax_enable_x64 else jnp.int32)
    table = jax.random.normal(k2, (VOCAB, EMBED), dtype=jnp.float32)
    return {"x": x, "table": table}

def reference(x, table):
    # nn.Embedding forward: gather rows of the embedding table
    return jnp.take(table, x, axis=0)

if __name__ == "__main__":
    import jax
    _d = setup_inputs()
    print(jax.jit(kernel)(*tuple(_d.values())))

</pallas_src>

<mosaic_0001>
#map = affine_map<(d0, d1) -> (0, 0)>
#map1 = affine_map<(d0, d1) -> (0)>
#map2 = affine_map<(d0, d1) -> (0, 0, 0)>
module attributes {stable_mosaic.version = 14 : i64} {
  func.func @k(%arg0: i32, %arg1: i32, %arg2: memref<1000000x64xf32, #tpu.memory_space<hbm>>, %arg3: memref<819200xi32, #tpu.memory_space<hbm>>, %arg4: memref<4096x200x128xf32, #tpu.memory_space<hbm>>, %arg5: memref<25600xi32, #tpu.memory_space<vmem>>, %arg6: memref<512x64xf32, #tpu.memory_space<vmem>>, %arg7: memref<512x64xf32, #tpu.memory_space<vmem>>, %arg8: memref<!tpu.dma_semaphore, #tpu.memory_space<semaphore_mem>>, %arg9: memref<!tpu.dma_semaphore, #tpu.memory_space<semaphore_mem>>, %arg10: memref<!tpu.dma_semaphore, #tpu.memory_space<semaphore_mem>>, %arg11: memref<!tpu.dma_semaphore, #tpu.memory_space<semaphore_mem>>) attributes {dimension_semantics = [#tpu.dimension_semantics<core_parallel>, #tpu.dimension_semantics<subcore_parallel>], iteration_bounds = array<i64: 2, 16>, scalar_prefetch = 0 : i64, scratch_operands = 7 : i64, tpu.core_type = #tpu.core_type<sc_vector_subcore>, window_params = [{transform_indices = #map}, {transform_indices = #map1}, {transform_indices = #map2}]} {
    %mul3A = arith.constant 2 : i32
    %mul3A_0 = arith.muli %arg1, %mul3A : i32
    %add3A = arith.addi %mul3A_0, %arg0 : i32
    %mul3A_1 = arith.constant 25600 : i32
    %mul3A_2 = arith.muli %add3A, %mul3A_1 : i32
    "tpu.region"() ({
      %run_scoped3A = tpu.sem_alloc : memref<!tpu.dma_semaphore, #tpu.memory_space<semaphore_mem>>
      %dma_start3A = tpu.memref_slice %arg3[%mul3A_2] : memref<819200xi32, #tpu.memory_space<hbm>> -> memref<25600xi32, #tpu.memory_space<hbm>>
      %dma_start3A_101 = tpu.memref_slice %arg3[%mul3A_2] : memref<819200xi32, #tpu.memory_space<hbm>> -> memref<25600xi32, #tpu.memory_space<hbm>>
      tpu.enqueue_dma source(%dma_start3A_101 : memref<25600xi32, #tpu.memory_space<hbm>>) target(%arg5 : memref<25600xi32, #tpu.memory_space<vmem>>) target_semaphore(%run_scoped3A : memref<!tpu.dma_semaphore, #tpu.memory_space<semaphore_mem>>)
      %dma_wait3A_102 = tpu.memref_slice %arg3[%mul3A_2] : memref<819200xi32, #tpu.memory_space<hbm>> -> memref<25600xi32, #tpu.memory_space<hbm>>
      %dma_wait3A_103 = tpu.memref_slice %arg3[%mul3A_2] : memref<819200xi32, #tpu.memory_space<hbm>> -> memref<25600xi32, #tpu.memory_space<hbm>>
      tpu.wait_dma2 semaphore(%run_scoped3A : memref<!tpu.dma_semaphore, #tpu.memory_space<semaphore_mem>>) src(%dma_wait3A_103 : memref<25600xi32, #tpu.memory_space<hbm>>) dst(%arg5 : memref<25600xi32, #tpu.memory_space<vmem>>)
      tpu.yield
    }) : () -> ()
    %scan3A = arith.constant 0 : i32
    %scan3A_3 = arith.constant 0 : i32
    %scan3A_4 = arith.constant 25 : i32
    %scan3A_5 = arith.addi %scan3A_3, %scan3A_4 : i32
    %scan3A_6 = arith.constant 1 : i32
    scf.for %scan3A_101 = %scan3A_3 to %scan3A_5 step %scan3A_6  : i32 {
      %mul3A_102 = arith.constant 2 : i32
      %mul3A_103 = arith.muli %mul3A_102, %scan3A_101 : i32
      %add3A_104 = arith.constant 0 : i32
      %add3A_105 = arith.addi %mul3A_103, %add3A_104 : i32
      %gt3A = arith.constant 0 : i32
      %gt3A_106 = arith.cmpi sgt, %scan3A_101, %gt3A : i32
      %convert_element_type3A = arith.extui %gt3A_106 : i1 to i32
      %cond3A = arith.constant 0 : i32
      %cond3A_107 = arith.cmpi ne, %convert_element_type3A, %cond3A : i32
      scf.if %cond3A_107 {
        %mul3A_239 = arith.constant 50 : i32
        %mul3A_240 = arith.muli %add3A, %mul3A_239 : i32
        %add3A_241 = arith.addi %mul3A_240, %add3A_105 : i32
        %jit3A_242 = arith.constant 8 : i32
        %div3A_243 = arith.divsi %add3A_241, %jit3A_242 : i32
        %sign3A_244 = arith.constant 0 : i32
        %sign3A_245 = arith.cmpi sgt, %add3A_241, %sign3A_244 : i32
        %sign3A_246 = arith.extui %sign3A_245 : i1 to i32
        %sign3A_247 = arith.constant 0 : i32
        %sign3A_248 = arith.cmpi slt, %add3A_241, %sign3A_247 : i32
        %sign3A_249 = arith.extui %sign3A_248 : i1 to i32
        %sign3A_250 = arith.subi %sign3A_246, %sign3A_249 : i32
        %sign3A_251 = arith.constant 0 : i32
        %sign3A_252 = arith.cmpi sgt, %jit3A_242, %sign3A_251 : i32
        %sign3A_253 = arith.extui %sign3A_252 : i1 to i32
        %sign3A_254 = arith.constant 0 : i32
        %sign3A_255 = arith.cmpi slt, %jit3A_242, %sign3A_254 : i32
        %sign3A_256 = arith.extui %sign3A_255 : i1 to i32
        %sign3A_257 = arith.subi %sign3A_253, %sign3A_256 : i32
        %ne3A_258 = arith.cmpi ne, %sign3A_250, %sign3A_257 : i32
        %rem3A_259 = arith.remsi %add3A_241, %jit3A_242 : i32
        %ne3A_260 = arith.constant 0 : i32
        %ne3A_261 = arith.cmpi ne, %rem3A_259, %ne3A_260 : i32
        %and3A_262 = arith.andi %ne3A_258, %ne3A_261 : i1
        %sub3A_263 = arith.constant 1 : i32
        %sub3A_264 = arith.subi %div3A_243, %sub3A_263 : i32
        %select_n3A_265 = arith.select %and3A_262, %sub3A_264, %div3A_243 : i32
        %jit3A_266 = arith.constant 8 : i32
        %eq3A_267 = arith.constant 0 : i32
        %eq3A_268 = arith.cmpi eq, %jit3A_266, %eq3A_267 : i32
        %jit3A_269 = arith.constant 1 : i32
        %select_n3A_270 = arith.select %eq3A_268, %jit3A_269, %jit3A_266 : i32
        %rem3A_271 = arith.remsi %add3A_241, %select_n3A_270 : i32
        %ne3A_272 = arith.constant 0 : i32
        %ne3A_273 = arith.cmpi ne, %rem3A_271, %ne3A_272 : i32
        %lt3A_274 = arith.constant 0 : i32
        %lt3A_275 = arith.cmpi slt, %rem3A_271, %lt3A_274 : i32
        %lt3A_276 = arith.constant 0 : i32
        %lt3A_277 = arith.cmpi slt, %select_n3A_270, %lt3A_276 : i32
        %ne3A_278 = arith.xori %lt3A_275, %lt3A_277 : i1
        %and3A_279 = arith.andi %ne3A_278, %ne3A_273 : i1
        %add3A_280 = arith.addi %rem3A_271, %select_n3A_270 : i32
        %select_n3A_281 = arith.select %and3A_279, %add3A_280, %rem3A_271 : i32
        %mul3A_282 = arith.constant 512 : i32
        %mul3A_283 = arith.muli %select_n3A_281, %mul3A_282 : i32
        %dma_wait3A_284 = arith.constant 0 : i32
        %dma_wait3A_285 = tpu.memref_slice %arg4[%mul3A_283, %select_n3A_265, %dma_wait3A_284] : memref<4096x200x128xf32, #tpu.memory_space<hbm>> -> memref<512x1x64xf32, #tpu.memory_space<hbm>>
        %dma_wait3A_286 = tpu.memref_squeeze %dma_wait3A_285 : memref<512x1x64xf32, #tpu.memory_space<hbm>> -> memref<512x64xf32, #tpu.memory_space<hbm>>
        %dma_wait3A_287 = arith.constant 0 : i32
        %dma_wait3A_288 = tpu.memref_slice %arg4[%mul3A_283, %select_n3A_265, %dma_wait3A_287] : memref<4096x200x128xf32, #tpu.memory_space<hbm>> -> memref<512x1x64xf32, #tpu.memory_space<hbm>>
        %dma_wait3A_289 = tpu.memref_squeeze %dma_wait3A_288 : memref<512x1x64xf32, #tpu.memory_space<hbm>> -> memref<512x64xf32, #tpu.memory_space<hbm>>
        tpu.wait_dma2 semaphore(%arg10 : memref<!tpu.dma_semaphore, #tpu.memory_space<semaphore_mem>>) src(%arg6 : memref<512x64xf32, #tpu.memory_space<vmem>>) dst(%dma_wait3A_289 : memref<512x64xf32, #tpu.memory_space<hbm>>)
      } else {
      }
      %mul3A_108 = arith.constant 512 : i32
      %mul3A_109 = arith.muli %add3A_105, %mul3A_108 : i32
      %multiple_of3A = tpu.assume_multiple %mul3A_109, 8 : i32
      %dma_start3A = tpu.memref_slice %arg5[%multiple_of3A] : memref<25600xi32, #tpu.memory_space<vmem>> -> memref<512xi32, #tpu.memory_space<vmem>>
      %dma_start3A_110 = arith.constant 0 : i32
      %dma_start3A_111 = arith.constant 0 : i32
      %dma_start3A_112 = tpu.memref_slice %arg2[%dma_start3A_110, %dma_start3A_111] : memref<1000000x64xf32, #tpu.memory_space<hbm>> -> memref<1000000x64xf32, #tpu.memory_space<hbm>>
      tpu.enqueue_indirect_dma source(%dma_start3A_112 : memref<1000000x64xf32, #tpu.memory_space<hbm>>) target(%arg6 : memref<512x64xf32, #tpu.memory_space<vmem>>) offsets(%dma_start3A : memref<512xi32, #tpu.memory_space<vmem>>) semaphore(%arg8 : memref<!tpu.dma_semaphore, #tpu.memory_space<semaphore_mem>>)
      %dma_wait3A_113 = tpu.memref_slice %arg5[%multiple_of3A] : memref<25600xi32, #tpu.memory_space<vmem>> -> memref<512xi32, #tpu.memory_space<vmem>>
      %dma_wait3A_114 = arith.constant 0 : i32
      %dma_wait3A_115 = arith.constant 0 : i32
      %dma_wait3A_116 = tpu.memref_slice %arg2[%dma_wait3A_114, %dma_wait3A_115] : memref<1000000x64xf32, #tpu.memory_space<hbm>> -> memref<1000000x64xf32, #tpu.memory_space<hbm>>
      tpu.wait_indirect_dma semaphore(%arg8 : memref<!tpu.dma_semaphore, #tpu.memory_space<semaphore_mem>>) src(%dma_wait3A_116 : memref<1000000x64xf32, #tpu.memory_space<hbm>>) dst(%arg6 : memref<512x64xf32, #tpu.memory_space<vmem>>)
      %mul3A_117 = arith.constant 50 : i32
      %mul3A_118 = arith.muli %add3A, %mul3A_117 : i32
      %add3A_119 = arith.addi %mul3A_118, %add3A_105 : i32
      %jit3A_120 = arith.constant 8 : i32
      %div3A_121 = arith.divsi %add3A_119, %jit3A_120 : i32
      %sign3A_122 = arith.constant 0 : i32
      %sign3A_123 = arith.cmpi sgt, %add3A_119, %sign3A_122 : i32
      %sign3A_124 = arith.extui %sign3A_123 : i1 to i32
      %sign3A_125 = arith.constant 0 : i32
      %sign3A_126 = arith.cmpi slt, %add3A_119, %sign3A_125 : i32
      %sign3A_127 = arith.extui %sign3A_126 : i1 to i32
      %sign3A_128 = arith.subi %sign3A_124, %sign3A_127 : i32
      %sign3A_129 = arith.constant 0 : i32
      %sign3A_130 = arith.cmpi sgt, %jit3A_120, %sign3A_129 : i32
      %sign3A_131 = arith.extui %sign3A_130 : i1 to i32
      %sign3A_132 = arith.constant 0 : i32
      %sign3A_133 = arith.cmpi slt, %jit3A_120, %sign3A_132 : i32
      %sign3A_134 = arith.extui %sign3A_133 : i1 to i32
      %sign3A_135 = arith.subi %sign3A_131, %sign3A_134 : i32
      %ne3A_136 = arith.cmpi ne, %sign3A_128, %sign3A_135 : i32
      %rem3A_137 = arith.remsi %add3A_119, %jit3A_120 : i32
      %ne3A_138 = arith.constant 0 : i32
      %ne3A_139 = arith.cmpi ne, %rem3A_137, %ne3A_138 : i32
      %and3A_140 = arith.andi %ne3A_136, %ne3A_139 : i1
      %sub3A_141 = arith.constant 1 : i32
      %sub3A_142 = arith.subi %div3A_121, %sub3A_141 : i32
      %select_n3A_143 = arith.select %and3A_140, %sub3A_142, %div3A_121 : i32
      %jit3A_144 = arith.constant 8 : i32
      %eq3A_145 = arith.constant 0 : i32
      %eq3A_146 = arith.cmpi eq, %jit3A_144, %eq3A_145 : i32
      %jit3A_147 = arith.constant 1 : i32
      %select_n3A_148 = arith.select %eq3A_146, %jit3A_147, %jit3A_144 : i32
      %rem3A_149 = arith.remsi %add3A_119, %select_n3A_148 : i32
      %ne3A_150 = arith.constant 0 : i32
      %ne3A_151 = arith.cmpi ne, %rem3A_149, %ne3A_150 : i32
      %lt3A_152 = arith.constant 0 : i32
      %lt3A_153 = arith.cmpi slt, %rem3A_149, %lt3A_152 : i32
      %lt3A_154 = arith.constant 0 : i32
      %lt3A_155 = arith.cmpi slt, %select_n3A_148, %lt3A_154 : i32
      %ne3A_156 = arith.xori %lt3A_153, %lt3A_155 : i1
      %and3A_157 = arith.andi %ne3A_156, %ne3A_151 : i1
      %add3A_158 = arith.addi %rem3A_149, %select_n3A_148 : i32
      %select_n3A_159 = arith.select %and3A_157, %add3A_158, %rem3A_149 : i32
      %mul3A_160 = arith.constant 512 : i32
      %mul3A_161 = arith.muli %select_n3A_159, %mul3A_160 : i32
      %dma_start3A_162 = arith.constant 0 : i32
      %dma_start3A_163 = tpu.memref_slice %arg4[%mul3A_161, %select_n3A_143, %dma_start3A_162] : memref<4096x200x128xf32, #tpu.memory_space<hbm>> -> memref<512x1x64xf32, #tpu.memory_space<hbm>>
      %dma_start3A_164 = tpu.memref_squeeze %dma_start3A_163 : memref<512x1x64xf32, #tpu.memory_space<hbm>> -> memref<512x64xf32, #tpu.memory_space<hbm>>
      %dma_start3A_165 = arith.constant 0 : i32
      %dma_start3A_166 = tpu.memref_slice %arg4[%mul3A_161, %select_n3A_143, %dma_start3A_165] : memref<4096x200x128xf32, #tpu.memory_space<hbm>> -> memref<512x1x64xf32, #tpu.memory_space<hbm>>
      %dma_start3A_167 = tpu.memref_squeeze %dma_start3A_166 : memref<512x1x64xf32, #tpu.memory_space<hbm>> -> memref<512x64xf32, #tpu.memory_space<hbm>>
      tpu.enqueue_dma source(%arg6 : memref<512x64xf32, #tpu.memory_space<vmem>>) target(%dma_start3A_167 : memref<512x64xf32, #tpu.memory_space<hbm>>) target_semaphore(%arg10 : memref<!tpu.dma_semaphore, #tpu.memory_space<semaphore_mem>>)
      %mul3A_168 = arith.constant 2 : i32
      %mul3A_169 = arith.muli %mul3A_168, %scan3A_101 : i32
      %add3A_170 = arith.constant 1 : i32
      %add3A_171 = arith.addi %mul3A_169, %add3A_170 : i32
      %gt3A_172 = arith.constant 0 : i32
      %gt3A_173 = arith.cmpi sgt, %scan3A_101, %gt3A_172 : i32
      %convert_element_type3A_174 = arith.extui %gt3A_173 : i1 to i32
      %cond3A_175 = arith.constant 0 : i32
      %cond3A_176 = arith.cmpi ne, %convert_element_type3A_174, %cond3A_175 : i32
      scf.if %cond3A_176 {
        %mul3A_239 = arith.constant 50 : i32
        %mul3A_240 = arith.muli %add3A, %mul3A_239 : i32
        %add3A_241 = arith.addi %mul3A_240, %add3A_171 : i32
        %jit3A_242 = arith.constant 8 : i32
        %div3A_243 = arith.divsi %add3A_241, %jit3A_242 : i32
        %sign3A_244 = arith.constant 0 : i32
        %sign3A_245 = arith.cmpi sgt, %add3A_241, %sign3A_244 : i32
        %sign3A_246 = arith.extui %sign3A_245 : i1 to i32
        %sign3A_247 = arith.constant 0 : i32
        %sign3A_248 = arith.cmpi slt, %add3A_241, %sign3A_247 : i32
        %sign3A_249 = arith.extui %sign3A_248 : i1 to i32
        %sign3A_250 = arith.subi %sign3A_246, %sign3A_249 : i32
        %sign3A_251 = arith.constant 0 : i32
        %sign3A_252 = arith.cmpi sgt, %jit3A_242, %sign3A_251 : i32
        %sign3A_253 = arith.extui %sign3A_252 : i1 to i32
        %sign3A_254 = arith.constant 0 : i32
        %sign3A_255 = arith.cmpi slt, %jit3A_242, %sign3A_254 : i32
        %sign3A_256 = arith.extui %sign3A_255 : i1 to i32
        %sign3A_257 = arith.subi %sign3A_253, %sign3A_256 : i32
        %ne3A_258 = arith.cmpi ne, %sign3A_250, %sign3A_257 : i32
        %rem3A_259 = arith.remsi %add3A_241, %jit3A_242 : i32
        %ne3A_260 = arith.constant 0 : i32
        %ne3A_261 = arith.cmpi ne, %rem3A_259, %ne3A_260 : i32
        %and3A_262 = arith.andi %ne3A_258, %ne3A_261 : i1
        %sub3A_263 = arith.constant 1 : i32
        %sub3A_264 = arith.subi %div3A_243, %sub3A_263 : i32
        %select_n3A_265 = arith.select %and3A_262, %sub3A_264, %div3A_243 : i32
        %jit3A_266 = arith.constant 8 : i32
        %eq3A_267 = arith.constant 0 : i32
        %eq3A_268 = arith.cmpi eq, %jit3A_266, %eq3A_267 : i32
        %jit3A_269 = arith.constant 1 : i32
        %select_n3A_270 = arith.select %eq3A_268, %jit3A_269, %jit3A_266 : i32
        %rem3A_271 = arith.remsi %add3A_241, %select_n3A_270 : i32
        %ne3A_272 = arith.constant 0 : i32
        %ne3A_273 = arith.cmpi ne, %rem3A_271, %ne3A_272 : i32
        %lt3A_274 = arith.constant 0 : i32
        %lt3A_275 = arith.cmpi slt, %rem3A_271, %lt3A_274 : i32
        %lt3A_276 = arith.constant 0 : i32
        %lt3A_277 = arith.cmpi slt, %select_n3A_270, %lt3A_276 : i32
        %ne3A_278 = arith.xori %lt3A_275, %lt3A_277 : i1
        %and3A_279 = arith.andi %ne3A_278, %ne3A_273 : i1
        %add3A_280 = arith.addi %rem3A_271, %select_n3A_270 : i32
        %select_n3A_281 = arith.select %and3A_279, %add3A_280, %rem3A_271 : i32
        %mul3A_282 = arith.constant 512 : i32
        %mul3A_283 = arith.muli %select_n3A_281, %mul3A_282 : i32
        %dma_wait3A_284 = arith.constant 0 : i32
        %dma_wait3A_285 = tpu.memref_slice %arg4[%mul3A_283, %select_n3A_265, %dma_wait3A_284] : memref<4096x200x128xf32, #tpu.memory_space<hbm>> -> memref<512x1x64xf32, #tpu.memory_space<hbm>>
        %dma_wait3A_286 = tpu.memref_squeeze %dma_wait3A_285 : memref<512x1x64xf32, #tpu.memory_space<hbm>> -> memref<512x64xf32, #tpu.memory_space<hbm>>
        %dma_wait3A_287 = arith.constant 0 : i32
        %dma_wait3A_288 = tpu.memref_slice %arg4[%mul3A_283, %select_n3A_265, %dma_wait3A_287] : memref<4096x200x128xf32, #tpu.memory_space<hbm>> -> memref<512x1x64xf32, #tpu.memory_space<hbm>>
        %dma_wait3A_289 = tpu.memref_squeeze %dma_wait3A_288 : memref<512x1x64xf32, #tpu.memory_space<hbm>> -> memref<512x64xf32, #tpu.memory_space<hbm>>
        tpu.wait_dma2 semaphore(%arg11 : memref<!tpu.dma_semaphore, #tpu.memory_space<semaphore_mem>>) src(%arg7 : memref<512x64xf32, #tpu.memory_space<vmem>>) dst(%dma_wait3A_289 : memref<512x64xf32, #tpu.memory_space<hbm>>)
      } else {
      }
      %mul3A_177 = arith.constant 512 : i32
      %mul3A_178 = arith.muli %add3A_171, %mul3A_177 : i32
      %multiple_of3A_179 = tpu.assume_multiple %mul3A_178, 8 : i32
      %dma_start3A_180 = tpu.memref_slice %arg5[%multiple_of3A_179] : memref<25600xi32, #tpu.memory_space<vmem>> -> memref<512xi32, #tpu.memory_space<vmem>>
      %dma_start3A_181 = arith.constant 0 : i32
      %dma_start3A_182 = arith.constant 0 : i32
      %dma_start3A_183 = tpu.memref_slice %arg2[%dma_start3A_181, %dma_start3A_182] : memref<1000000x64xf32, #tpu.memory_space<hbm>> -> memref<1000000x64xf32, #tpu.memory_space<hbm>>
      tpu.enqueue_indirect_dma source(%dma_start3A_183 : memref<1000000x64xf32, #tpu.memory_space<hbm>>) target(%arg7 : memref<512x64xf32, #tpu.memory_space<vmem>>) offsets(%dma_start3A_180 : memref<512xi32, #tpu.memory_space<vmem>>) semaphore(%arg9 : memref<!tpu.dma_semaphore, #tpu.memory_space<semaphore_mem>>)
      %dma_wait3A_184 = tpu.memref_slice %arg5[%multiple_of3A_179] : memref<25600xi32, #tpu.memory_space<vmem>> -> memref<512xi32, #tpu.memory_space<vmem>>
      %dma_wait3A_185 = arith.constant 0 : i32
      %dma_wait3A_186 = arith.constant 0 : i32
      %dma_wait3A_187 = tpu.memref_slice %arg2[%dma_wait3A_185, %dma_wait3A_186] : memref<1000000x64xf32, #tpu.memory_space<hbm>> -> memref<1000000x64xf32, #tpu.memory_space<hbm>>
      tpu.wait_indirect_dma semaphore(%arg9 : memref<!tpu.dma_semaphore, #tpu.memory_space<semaphore_mem>>) src(%dma_wait3A_187 : memref<1000000x64xf32, #tpu.memory_space<hbm>>) dst(%arg7 : memref<512x64xf32, #tpu.memory_space<vmem>>)
      %mul3A_188 = arith.constant 50 : i32
      %mul3A_189 = arith.muli %add3A, %mul3A_188 : i32
      %add3A_190 = arith.addi %mul3A_189, %add3A_171 : i32
      %jit3A_191 = arith.constant 8 : i32
      %div3A_192 = arith.divsi %add3A_190, %jit3A_191 : i32
      %sign3A_193 = arith.constant 0 : i32
      %sign3A_194 = arith.cmpi sgt, %add3A_190, %sign3A_193 : i32
      %sign3A_195 = arith.extui %sign3A_194 : i1 to i32
      %sign3A_196 = arith.constant 0 : i32
      %sign3A_197 = arith.cmpi slt, %add3A_190, %sign3A_196 : i32
      %sign3A_198 = arith.extui %sign3A_197 : i1 to i32
      %sign3A_199 = arith.subi %sign3A_195, %sign3A_198 : i32
      %sign3A_200 = arith.constant 0 : i32
      %sign3A_201 = arith.cmpi sgt, %jit3A_191, %sign3A_200 : i32
      %sign3A_202 = arith.extui %sign3A_201 : i1 to i32
      %sign3A_203 = arith.constant 0 : i32
      %sign3A_204 = arith.cmpi slt, %jit3A_191, %sign3A_203 : i32
      %sign3A_205 = arith.extui %sign3A_204 : i1 to i32
      %sign3A_206 = arith.subi %sign3A_202, %sign3A_205 : i32
      %ne3A_207 = arith.cmpi ne, %sign3A_199, %sign3A_206 : i32
      %rem3A_208 = arith.remsi %add3A_190, %jit3A_191 : i32
      %ne3A_209 = arith.constant 0 : i32
      %ne3A_210 = arith.cmpi ne, %rem3A_208, %ne3A_209 : i32
      %and3A_211 = arith.andi %ne3A_207, %ne3A_210 : i1
      %sub3A_212 = arith.constant 1 : i32
      %sub3A_213 = arith.subi %div3A_192, %sub3A_212 : i32
      %select_n3A_214 = arith.select %and3A_211, %sub3A_213, %div3A_192 : i32
      %jit3A_215 = arith.constant 8 : i32
      %eq3A_216 = arith.constant 0 : i32
      %eq3A_217 = arith.cmpi eq, %jit3A_215, %eq3A_216 : i32
      %jit3A_218 = arith.constant 1 : i32
      %select_n3A_219 = arith.select %eq3A_217, %jit3A_218, %jit3A_215 : i32
      %rem3A_220 = arith.remsi %add3A_190, %select_n3A_219 : i32
      %ne3A_221 = arith.constant 0 : i32
      %ne3A_222 = arith.cmpi ne, %rem3A_220, %ne3A_221 : i32
      %lt3A_223 = arith.constant 0 : i32
      %lt3A_224 = arith.cmpi slt, %rem3A_220, %lt3A_223 : i32
      %lt3A_225 = arith.constant 0 : i32
      %lt3A_226 = arith.cmpi slt, %select_n3A_219, %lt3A_225 : i32
      %ne3A_227 = arith.xori %lt3A_224, %lt3A_226 : i1
      %and3A_228 = arith.andi %ne3A_227, %ne3A_222 : i1
      %add3A_229 = arith.addi %rem3A_220, %select_n3A_219 : i32
      %select_n3A_230 = arith.select %and3A_228, %add3A_229, %rem3A_220 : i32
      %mul3A_231 = arith.constant 512 : i32
      %mul3A_232 = arith.muli %select_n3A_230, %mul3A_231 : i32
      %dma_start3A_233 = arith.constant 0 : i32
      %dma_start3A_234 = tpu.memref_slice %arg4[%mul3A_232, %select_n3A_214, %dma_start3A_233] : memref<4096x200x128xf32, #tpu.memory_space<hbm>> -> memref<512x1x64xf32, #tpu.memory_space<hbm>>
      %dma_start3A_235 = tpu.memref_squeeze %dma_start3A_234 : memref<512x1x64xf32, #tpu.memory_space<hbm>> -> memref<512x64xf32, #tpu.memory_space<hbm>>
      %dma_start3A_236 = arith.constant 0 : i32
      %dma_start3A_237 = tpu.memref_slice %arg4[%mul3A_232, %select_n3A_214, %dma_start3A_236] : memref<4096x200x128xf32, #tpu.memory_space<hbm>> -> memref<512x1x64xf32, #tpu.memory_space<hbm>>
      %dma_start3A_238 = tpu.memref_squeeze %dma_start3A_237 : memref<512x1x64xf32, #tpu.memory_space<hbm>> -> memref<512x64xf32, #tpu.memory_space<hbm>>
      tpu.enqueue_dma source(%arg7 : memref<512x64xf32, #tpu.memory_space<vmem>>) target(%dma_start3A_238 : memref<512x64xf32, #tpu.memory_space<hbm>>) target_semaphore(%arg11 : memref<!tpu.dma_semaphore, #tpu.memory_space<semaphore_mem>>)
    }
    %scan3A_7 = arith.constant 25 : i32
    %mul3A_8 = arith.constant 50 : i32
    %mul3A_9 = arith.muli %add3A, %mul3A_8 : i32
    %add3A_10 = arith.constant 48 : i32
    %add3A_11 = arith.addi %mul3A_9, %add3A_10 : i32
    %jit3A = arith.constant 8 : i32
    %div3A = arith.divsi %add3A_11, %jit3A : i32
    %sign3A = arith.constant 0 : i32
    %sign3A_12 = arith.cmpi sgt, %add3A_11, %sign3A : i32
    %sign3A_13 = arith.extui %sign3A_12 : i1 to i32
    %sign3A_14 = arith.constant 0 : i32
    %sign3A_15 = arith.cmpi slt, %add3A_11, %sign3A_14 : i32
    %sign3A_16 = arith.extui %sign3A_15 : i1 to i32
    %sign3A_17 = arith.subi %sign3A_13, %sign3A_16 : i32
    %sign3A_18 = arith.constant 0 : i32
    %sign3A_19 = arith.cmpi sgt, %jit3A, %sign3A_18 : i32
    %sign3A_20 = arith.extui %sign3A_19 : i1 to i32
    %sign3A_21 = arith.constant 0 : i32
    %sign3A_22 = arith.cmpi slt, %jit3A, %sign3A_21 : i32
    %sign3A_23 = arith.extui %sign3A_22 : i1 to i32
    %sign3A_24 = arith.subi %sign3A_20, %sign3A_23 : i32
    %ne3A = arith.cmpi ne, %sign3A_17, %sign3A_24 : i32
    %rem3A = arith.remsi %add3A_11, %jit3A : i32
    %ne3A_25 = arith.constant 0 : i32
    %ne3A_26 = arith.cmpi ne, %rem3A, %ne3A_25 : i32
    %and3A = arith.andi %ne3A, %ne3A_26 : i1
    %sub3A = arith.constant 1 : i32
    %sub3A_27 = arith.subi %div3A, %sub3A : i32
    %select_n3A = arith.select %and3A, %sub3A_27, %div3A : i32
    %jit3A_28 = arith.constant 8 : i32
    %eq3A = arith.constant 0 : i32
    %eq3A_29 = arith.cmpi eq, %jit3A_28, %eq3A : i32
    %jit3A_30 = arith.constant 1 : i32
    %select_n3A_31 = arith.select %eq3A_29, %jit3A_30, %jit3A_28 : i32
    %rem3A_32 = arith.remsi %add3A_11, %select_n3A_31 : i32
    %ne3A_33 = arith.constant 0 : i32
    %ne3A_34 = arith.cmpi ne, %rem3A_32, %ne3A_33 : i32
    %lt3A = arith.constant 0 : i32
    %lt3A_35 = arith.cmpi slt, %rem3A_32, %lt3A : i32
    %lt3A_36 = arith.constant 0 : i32
    %lt3A_37 = arith.cmpi slt, %select_n3A_31, %lt3A_36 : i32
    %ne3A_38 = arith.xori %lt3A_35, %lt3A_37 : i1
    %and3A_39 = arith.andi %ne3A_38, %ne3A_34 : i1
    %add3A_40 = arith.addi %rem3A_32, %select_n3A_31 : i32
    %select_n3A_41 = arith.select %and3A_39, %add3A_40, %rem3A_32 : i32
    %mul3A_42 = arith.constant 512 : i32
    %mul3A_43 = arith.muli %select_n3A_41, %mul3A_42 : i32
    %dma_wait3A = arith.constant 0 : i32
    %dma_wait3A_44 = tpu.memref_slice %arg4[%mul3A_43, %select_n3A, %dma_wait3A] : memref<4096x200x128xf32, #tpu.memory_space<hbm>> -> memref<512x1x64xf32, #tpu.memory_space<hbm>>
    %dma_wait3A_45 = tpu.memref_squeeze %dma_wait3A_44 : memref<512x1x64xf32, #tpu.memory_space<hbm>> -> memref<512x64xf32, #tpu.memory_space<hbm>>
    %dma_wait3A_46 = arith.constant 0 : i32
    %dma_wait3A_47 = tpu.memref_slice %arg4[%mul3A_43, %select_n3A, %dma_wait3A_46] : memref<4096x200x128xf32, #tpu.memory_space<hbm>> -> memref<512x1x64xf32, #tpu.memory_space<hbm>>
    %dma_wait3A_48 = tpu.memref_squeeze %dma_wait3A_47 : memref<512x1x64xf32, #tpu.memory_space<hbm>> -> memref<512x64xf32, #tpu.memory_space<hbm>>
    tpu.wait_dma2 semaphore(%arg10 : memref<!tpu.dma_semaphore, #tpu.memory_space<semaphore_mem>>) src(%arg6 : memref<512x64xf32, #tpu.memory_space<vmem>>) dst(%dma_wait3A_48 : memref<512x64xf32, #tpu.memory_space<hbm>>)
    %mul3A_49 = arith.constant 50 : i32
    %mul3A_50 = arith.muli %add3A, %mul3A_49 : i32
    %add3A_51 = arith.constant 49 : i32
    %add3A_52 = arith.addi %mul3A_50, %add3A_51 : i32
    %jit3A_53 = arith.constant 8 : i32
    %div3A_54 = arith.divsi %add3A_52, %jit3A_53 : i32
    %sign3A_55 = arith.constant 0 : i32
    %sign3A_56 = arith.cmpi sgt, %add3A_52, %sign3A_55 : i32
    %sign3A_57 = arith.extui %sign3A_56 : i1 to i32
    %sign3A_58 = arith.constant 0 : i32
    %sign3A_59 = arith.cmpi slt, %add3A_52, %sign3A_58 : i32
    %sign3A_60 = arith.extui %sign3A_59 : i1 to i32
    %sign3A_61 = arith.subi %sign3A_57, %sign3A_60 : i32
    %sign3A_62 = arith.constant 0 : i32
    %sign3A_63 = arith.cmpi sgt, %jit3A_53, %sign3A_62 : i32
    %sign3A_64 = arith.extui %sign3A_63 : i1 to i32
    %sign3A_65 = arith.constant 0 : i32
    %sign3A_66 = arith.cmpi slt, %jit3A_53, %sign3A_65 : i32
    %sign3A_67 = arith.extui %sign3A_66 : i1 to i32
    %sign3A_68 = arith.subi %sign3A_64, %sign3A_67 : i32
    %ne3A_69 = arith.cmpi ne, %sign3A_61, %sign3A_68 : i32
    %rem3A_70 = arith.remsi %add3A_52, %jit3A_53 : i32
    %ne3A_71 = arith.constant 0 : i32
    %ne3A_72 = arith.cmpi ne, %rem3A_70, %ne3A_71 : i32
    %and3A_73 = arith.andi %ne3A_69, %ne3A_72 : i1
    %sub3A_74 = arith.constant 1 : i32
    %sub3A_75 = arith.subi %div3A_54, %sub3A_74 : i32
    %select_n3A_76 = arith.select %and3A_73, %sub3A_75, %div3A_54 : i32
    %jit3A_77 = arith.constant 8 : i32
    %eq3A_78 = arith.constant 0 : i32
    %eq3A_79 = arith.cmpi eq, %jit3A_77, %eq3A_78 : i32
    %jit3A_80 = arith.constant 1 : i32
    %select_n3A_81 = arith.select %eq3A_79, %jit3A_80, %jit3A_77 : i32
    %rem3A_82 = arith.remsi %add3A_52, %select_n3A_81 : i32
    %ne3A_83 = arith.constant 0 : i32
    %ne3A_84 = arith.cmpi ne, %rem3A_82, %ne3A_83 : i32
    %lt3A_85 = arith.constant 0 : i32
    %lt3A_86 = arith.cmpi slt, %rem3A_82, %lt3A_85 : i32
    %lt3A_87 = arith.constant 0 : i32
    %lt3A_88 = arith.cmpi slt, %select_n3A_81, %lt3A_87 : i32
    %ne3A_89 = arith.xori %lt3A_86, %lt3A_88 : i1
    %and3A_90 = arith.andi %ne3A_89, %ne3A_84 : i1
    %add3A_91 = arith.addi %rem3A_82, %select_n3A_81 : i32
    %select_n3A_92 = arith.select %and3A_90, %add3A_91, %rem3A_82 : i32
    %mul3A_93 = arith.constant 512 : i32
    %mul3A_94 = arith.muli %select_n3A_92, %mul3A_93 : i32
    %dma_wait3A_95 = arith.constant 0 : i32
    %dma_wait3A_96 = tpu.memref_slice %arg4[%mul3A_94, %select_n3A_76, %dma_wait3A_95] : memref<4096x200x128xf32, #tpu.memory_space<hbm>> -> memref<512x1x64xf32, #tpu.memory_space<hbm>>
    %dma_wait3A_97 = tpu.memref_squeeze %dma_wait3A_96 : memref<512x1x64xf32, #tpu.memory_space<hbm>> -> memref<512x64xf32, #tpu.memory_space<hbm>>
    %dma_wait3A_98 = arith.constant 0 : i32
    %dma_wait3A_99 = tpu.memref_slice %arg4[%mul3A_94, %select_n3A_76, %dma_wait3A_98] : memref<4096x200x128xf32, #tpu.memory_space<hbm>> -> memref<512x1x64xf32, #tpu.memory_space<hbm>>
    %dma_wait3A_100 = tpu.memref_squeeze %dma_wait3A_99 : memref<512x1x64xf32, #tpu.memory_space<hbm>> -> memref<512x64xf32, #tpu.memory_space<hbm>>
    tpu.wait_dma2 semaphore(%arg11 : memref<!tpu.dma_semaphore, #tpu.memory_space<semaphore_mem>>) src(%arg7 : memref<512x64xf32, #tpu.memory_space<vmem>>) dst(%dma_wait3A_100 : memref<512x64xf32, #tpu.memory_space<hbm>>)
    return
  }
}

</mosaic_0001>

<sc_bundles>
// kernel: kernel.3.cloned.1.call-start
scs
__scs_entry_jumppad:
0x0: {  	(pc) =	sbr.rel $0x88, $3  }
0x1: {  	(tag) =	ssettag $0x0;
	lr =	simm.s32 $0x1  }
0x2: {  	[smem:$0x3F9F] =	sst lr;
	_ =	strace $0xD0000000  }
0x3: {  	_ = 	snop  }
0x4: {  	_ = 	snop  }
0x5: {  	_ = 	snop  }
0x6: {  	_ = 	snop  }
0x7: {  	_ = 	snop  }
__scs_overlays_trampoline_lowered:
0x8: {  	[smem:$0x3FAE] =	sst s0  }
0x9: {  	[smem:$0x3FAF] =	sst s1  }
0xa: {  	[smem:$0x3FB0] =	sst s2  }
0xb: {  	[smem:$0x3FB1] =	sst s3  }
0xc: {  	[smem:$0x3FB2] =	sst s4  }
0xd: {  	[smem:$0x3FB3] =	sst s5  }
0xe: {  	[smem:$0x3FB4] =	sst s6  }
0xf: {  	[smem:$0x3FB5] =	sst s7  }
0x10: {  	[smem:$0x3FB6] =	sst s8  }
0x11: {  	[smem:$0x3FB7] =	sst s9;
	s0 =	simm.s32 @!p0 $0x0  }
0x12: {  	s1 =	sld [smem:$0x3F9D];
	s0 =	simm.s32 @p0 $0x1  }
0x13: {  	[smem:$0x3FB8] =	sst s0;
	s0 =	simm.s32 @!p1 $0x0  }
0x14: {  	s2 =	sld [smem:$0x3F9C];
	s0 =	simm.s32 @p1 $0x1  }
0x15: {  	[smem:$0x3FB9] =	sst s0;
	s0 =	simm.s32 @!p2 $0x0  }
0x16: {  	s3 =	sld [smem:$0x3FDB];
	s0 =	simm.s32 @p2 $0x1  }
0x17: {  	s4 =	simm.s32 $0x1BF5;
	[smem:$0x3FBB] =	sst s0  }
0x18: {  	s0 =	sld [smem:$0x3F9E];
	_ =	swait.ge [sflag:s4], $0x0  }
0x19: {  	s7 =	sld [smem:$0x3F9F]  }
0x1a: {  	s8 =	sadd.s32 $0xFFFFE003, lr  }
0x1b: {  	s9 =	sadd.s32 $0xFFFFFEF7, lr;
	s5 =	simm.s32 $0xFFFFFFFF;
	p2 =	slt.u32 s8, $0xFFFFF086  }
0x1c: {  	p1 =	slt.u32 s9, $0xF7A;
	s5 =	simm.s32 @!p2 $0x0  }
0x1d: {  	s5 =	simm.s32 @p1 $0x1;
	p0 =	seq.s32 s7, s2  }
0x1e: {  	s7 =	smul.u32 @!p0 $0xF7A, s2;
	p2 =	seq.s32 @!p0 s5, $0x0  }
0x1f: {  	s9 =	smul.u32 $0xF7A, s1;
	s8 =	simm.s32 @!p0 $0x1BF5;
	p2 =	por !p2, p0  }
0x20: {  	[sflag:s8] =	ssyncset.s32 @!p0 $0xFFFFF086;
	s6 =	sadd.s32 @!p0 s3, s7;
	s7 =	simm.s32 @!p0 $0x108  }
0x21: {  	s3 =	sadd.s32 s3, s9;
	s6 =	sadd.s32 @!p0 $0x88, s6;
	s7 =	simm.s32 @p2 $0x1082  }
0x22: {  	[simem:s7], [sflag:s8] =	dma.local @!p0 [hbm:s6], $0xF7A  }
0x23: {  	s9 =	sor.u32 $0xD0000000, s2;
	s6 =	simm.s32 $0x108;
	_ =	swait.ge @!p0 [sflag:s8], $0x0  }
0x24: {  	s3 =	sadd.s32 $0x88, s3;
	s6 =	simm.s32 @!p1 $0x1082;
	[sflag:s4] =	ssyncset.s32 $0xFFFFF086  }
0x25: {  	[simem:s6], [sflag:s4] =	dma.local [hbm:s3], $0xF7A  }
0x26: {  	[smem:$0x3F9F] =	sst s1;
	(tag) =	ssettag s2;
	_ =	strace s9  }
0x27: {  	s1 =	sld [smem:$0x3FAF]  }
0x28: {  	s2 =	sld [smem:$0x3FB0]  }
0x29: {  	s4 =	sld [smem:$0x3FB2]  }
0x2a: {  	p0 =	seq.s32 s5, $0x0;
	s5 =	sld [smem:$0x3FB3]  }
0x2b: {  	s6 =	sld [smem:$0x3FB4]  }
0x2c: {  	s7 =	sld [smem:$0x3FB5]  }
0x2d: {  	s3 =	simm.s32 $0x108;
	s8 =	sld [smem:$0x3FB6]  }
0x2e: {  	s3 =	simm.s32 @!p0 $0x1082;
	s9 =	sld [smem:$0x3FB7]  }
0x2f: {  	lr =	sadd.s32 s0, s3;
	s0 =	sld [smem:$0x3FAE]  }
0x30: {  	s3 =	sld [smem:$0x3FB1]  }
0x31: {  	[smem:$0x3FBA] =	sst s10  }
0x32: {  	s10 =	sld [smem:$0x3FB8];
	_ =	sdelay $0x3  }
0x33: {  	p0 =	seq.s32 s10, $0x1;
	s10 =	sld [smem:$0x3FBA];
	_ =	sdelay $0x3  }
0x34: {  	[smem:$0x3FBA] =	sst s10  }
0x35: {  	s10 =	sld [smem:$0x3FB9];
	_ =	sdelay $0x3  }
0x36: {  	p1 =	seq.s32 s10, $0x1;
	s10 =	sld [smem:$0x3FBA];
	_ =	sdelay $0x3  }
0x37: {  	[smem:$0x3FBA] =	sst s10  }
0x38: {  	s10 =	sld [smem:$0x3FBB]  }
0x39: {  	_ = 	snop;
	(pc) =	sbr.ind lr, $3  }
0x3a: {  	_ = 	snop  }
0x3b: {  	_ = 	snop  }
0x3c: {  	p2 =	seq.s32 s10, $0x1;
	s10 =	sld [smem:$0x3FBA]  }
0x3d: {  	_ =	shalt  }
0x3e: {  	_ =	shalt  }
0x3f: {  	_ =	shalt  }
0x40: {  	_ =	shalt  }
0x41: {  	_ =	shalt  }
0x42: {  	_ =	shalt  }
0x43: {  	_ =	shalt  }
0x44: {  	_ =	shalt  }
0x45: {  	_ =	shalt  }
0x46: {  	_ =	shalt  }
0x47: {  	_ =	shalt  }
0x48: {  	_ =	shalt  }
0x49: {  	_ =	shalt  }
0x4a: {  	_ =	shalt  }
0x4b: {  	_ =	shalt  }
0x4c: {  	_ =	shalt  }
0x4d: {  	_ =	shalt  }
0x4e: {  	_ =	shalt  }
0x4f: {  	_ =	shalt  }
0x50: {  	_ =	shalt  }
0x51: {  	_ =	shalt  }
0x52: {  	_ =	shalt  }
0x53: {  	_ =	shalt  }
0x54: {  	_ =	shalt  }
0x55: {  	_ =	shalt  }
0x56: {  	_ =	shalt  }
0x57: {  	_ =	shalt  }
0x58: {  	_ =	shalt  }
0x59: {  	_ =	shalt  }
0x5a: {  	_ =	shalt  }
0x5b: {  	_ =	shalt  }
0x5c: {  	_ =	shalt  }
0x5d: {  	_ =	shalt  }
0x5e: {  	_ =	shalt  }
0x5f: {  	_ =	shalt  }
0x60: {  	_ =	shalt  }
0x61: {  	_ =	shalt  }
0x62: {  	_ =	shalt  }
0x63: {  	_ =	shalt  }
0x64: {  	_ =	shalt  }
0x65: {  	_ =	shalt  }
0x66: {  	_ =	shalt  }
0x67: {  	_ =	shalt  }
0x68: {  	_ =	shalt  }
0x69: {  	_ =	shalt  }
0x6a: {  	_ =	shalt  }
0x6b: {  	_ =	shalt  }
0x6c: {  	_ =	shalt  }
0x6d: {  	_ =	shalt  }
0x6e: {  	_ =	shalt  }
0x6f: {  	_ =	shalt  }
0x70: {  	_ =	shalt  }
0x71: {  	_ =	shalt  }
0x72: {  	_ =	shalt  }
0x73: {  	_ =	shalt  }
0x74: {  	_ =	shalt  }
0x75: {  	_ =	shalt  }
0x76: {  	_ =	shalt  }
0x77: {  	_ =	shalt  }
0x78: {  	_ =	shalt  }
0x79: {  	_ =	shalt  }
0x7a: {  	_ =	shalt  }
0x7b: {  	_ =	shalt  }
0x7c: {  	_ =	shalt  }
0x7d: {  	_ =	shalt  }
0x7e: {  	_ =	shalt  }
0x7f: {  	_ =	shalt  }
0x80: {  	_ =	shalt  }
0x81: {  	_ =	shalt  }
0x82: {  	_ =	shalt  }
0x83: {  	_ =	shalt  }
0x84: {  	_ =	shalt  }
0x85: {  	_ =	shalt  }
0x86: {  	_ =	shalt  }
0x87: {  	_ =	shalt  }
.Lfunc_end0:
.L_simem_size_0:
called_computation.1_lowered:
.L_overlay_start_0:
0x88: {  	s2 =	sld [smem:$0x3FD9]  }
0x89: {  	s3 =	sld [smem:$0x3FFE];
	_ =	sdelay $0x1  }
0x8a: {  	s1 =	srdreg.scid  }
0x8b: {  	s0 =	sand.u32 $0x1, s1  }
0x8c: {  	s17 =	sshll.u32 s0, $0xA;
	s2 =	sadd.s32 s3, s2  }
0x8d: {  	s2 =	sadd.s32 s2, s17  }
0x8e: {  	[smem:$0x3FC6] =	sst s2  }
0x8f: {  	_ = 	snop  }
0x90: {  	s2 =	sld [smem:$0x3FD0];
	(tm) =	ssettm $0x1  }
0x91: {  	s18 =	sld [smem:$0x3FFB];
	_ =	sdelay $0x3  }
0x92: {  	_ =	strace s18  }
0x93: {  	s3 =	sld [smem:$0x3FFC];
	_ =	sdelay $0x3  }
0x94: {  	_ =	strace s3  }
0x95: {  	s3 =	sld [smem:$0x3FFD];
	_ =	sdelay $0x3  }
0x96: {  	_ =	strace s3  }
0x97: {  	_ =	strace $0x8FFFFFFF  }
0x98: {  	s19 =	sld [smem:$0x3FDB];
	_ =	sdelay $0x1  }
0x99: {  	s4 =	simm.s32 $_scs_section_size  }
0x9a: {  	s5 =	simm.s32 $_size__tile_overlayer_lowered;
	s6 =	simm.s32 $_tile_overlayer_lowered  }
0x9b: {  	s22 =	simm.s32 $0x1BFF;
	s21 =	sshll.u32 s6, $0x1;
	s3 =	sadd.s32 s4, s19  }
0x9c: {  	s7 =	simm.s32 $0x0;
	s20 =	sshll.u32 s5, $0x1;
	s5 =	sadd.s32 s21, s3  }
0x9d: {  	[timem:s7], [sflag:s22] =	dma.local [hbm:s5], s20  }
0x9e: {  	_ =	swait.ge [sflag:s22], s20  }
0x9f: {  	s4 =	ssub.s32 $0x0, s20;
	[sflag:s22] =	ssyncset.done $0x0  }
0xa0: {  	[sflag:s22] =	ssyncadd.s32 s4;
	_ =	sdelay $0x1  }
0xa1: {  	s23 =	simm.s32 $0x1B8B  }
0xa2: {  	_ =	swait.ge [sflag:s23], $0x1  }
0xa3: {  	[sflag:s23] =	ssyncset.done $0x0  }
0xa4: {  	s25 =	simm.s32 $0x1B8E;
	s24 =	sld [smem:$0x3FFE];
	[sflag:s23] =	ssyncadd.s32 $0xFFFFFFFF  }
0xa5: {  	s26 =	simm.s32 $execute0_lowered;
	[smem:$0x3FD2] =	sst s25  }
0xa6: {  	s5 =	sshll.u32 s26, $0x1;
	_ =	strace $0x80000046;
	[dreg:$0x1] =	wrdreg $0xFFFFFFFF  }
0xa7: {  	s28 =	simm.s32 $_size_execute0_lowered;
	s3 =	sadd.s32 s3, s5;
	[dreg:$0x0] =	wrdreg $0x0  }
0xa8: {  	s5 =	sshll.u32 s28, $0x1;
	[dreg:$0x2] =	wrdreg s3  }
0xa9: {  	[dreg:$0x3] =	wrdreg s5  }
0xaa: {  	[dreg:$0x4] =	wrdreg $0xC0  }
0xab: {  	_ =	task [dreg:s7], $0x5FFFF  }
0xac: {  	[dreg:$0x1] =	wrdreg $0xFFFFFFFF  }
0xad: {  	[dreg:$0x0] =	wrdreg $0x60  }
0xae: {  	[dreg:$0x2] =	wrdreg s24  }
0xaf: {  	[dreg:$0x3] =	wrdreg s2  }
0xb0: {  	[dreg:$0x4] =	wrdreg $0x9  }
0xb1: {  	_ =	task.clear_ibuf [dreg:s7], $0x5FFFF;
	_ =	strace $0x90000046  }
0xb2: {  	s29 =	simm.s32 $0x9;
	_ =	strace $0x80000048  }
0xb3: {  	_ =	swait.ge [sflag:s29], $0x1  }
0xb4: {  	[sflag:s29] =	ssyncadd.s32 $0xFFFFFFFF  }
0xb5: {  	_ =	strace $0x90000048  }
0xb6: {  	_ =	sfence  }
0xb7: {  	s30 =	sld [smem:$0x0];
	_ =	sdelay $0x2  }
0xb8: {  	s31 =	sshll.u32 s1, $0xD;
	s1 =	sshrl.u32 s1, $0x2  }
0xb9: {  	s3 =	sand.u32 $0x4000, s31;
	s1 =	sadd.s32 s1, s30  }
0xba: {  	s0 =	sor.u32 s3, s0;
	s1 =	sshll.u32 s1, $0x11  }
0xbb: {  	s0 =	sor.u32 s1, s0  }
0xbc: {  	s0 =	sadd.s32 $0x8F2B, s0  }
0xbd: {  	[sflag:s0] =	ssyncadd.remote.s32 $0x1  }
0xbe: {  	_ =	sfence.sel $0xFFFF  }
0xbf: {  	[dreg:$0x0] =	wrdreg $0xFFFFFFFF;
	(pc) =	sbr.abs _section_cstart, $3  }
0xc0: {  	[dreg:$0x1] =	wrdreg $0xFFFFFFFF  }
0xc1: {  	_ =	task.clear_ibuf [dreg:s7], $0x2FFFF;
	_ =	strace $0x9FFFFFFF  }
0xc2: {  	(tm) =	ssettm $0x7FFFFFFF  }
0xc3: {  	_ =	shalt  }
tec
execute0_lowered:
.L_overlay_start_1:
0x0: {  	(tag) =	ssettag $0x1  }
0x1: {  	s4 =	rddreg [dreg:$0x0]  }
0x2: {  	s5 =	rddreg [dreg:$0x1]  }
0x3: {  	s0 =	rddreg [dreg:$0x2];
	s3 =	srdreg.scid  }
0x4: {  	s1 =	stileid.u32;
	s2 =	simm.s32 $0x0;
	s14 =	simm.s32 $0x1  }
0x5: {  	s15 =	simm.s32 $0x40;
	s16 =	simm.s32 $0xE400;
	s17 =	simm.s32 $0x2  }
0x6: {  	s18 =	simm.s32 $0x3;
	s19 =	simm.s32 $0x4;
	s12 =	smul.u32 $0x640, s1  }
0x7: {  	s20 =	simm.s32 $0x0;
	s6 =	sand.u32 $0x1, s3;
	s31 =	smul.u32 $0xC800, s1  }
0x8: {  	s28 =	sshll.u32 s1, $0x1;
	[smem:$0x7FF] =	sst s2;
	s29 =	smul.u32 $0x320, s6  }
0x9: {  	s3 =	sadd.s32 $0xF42E00, s4;
	s7 =	sor.u32 s6, s28;
	s13 =	smul.u32 $0x6400, s6  }
0xa: {  	s4 =	sadd.s32 $0xA00, s4;
	s8 =	smul.u32 $0xC80, s7;
	s9 =	sshll.u32 s7, $0xA  }
0xb: {  	s10 =	ssub.s32 $0x2, s6;
	s7 =	smul.u32 $0x320, s7;
	s9 =	sand.u32 $0xC00, s9  }
0xc: {  	_ =	strace $0x80000047;
	s11 =	sshrl.u32 s10, $0x1;
	s9 =	smul.u32 $0x6400, s9  }
0xd: {  	s10 =	ssub.s32 s10, s11;
	s11 =	simm.s32 $0x5;
	s7 =	sand.u32 $0x7F80, s7  }
0xe: {  	s5 =	sadd.s32 s5, s8;
	s6 =	smax.u32 s10, $0x1;
	s7 =	sor.u32 s7, s9  }
0xf: {  	s10 =	sadd.s32 s13, s31;
	s13 =	simm.s32 $0x6400;
	s30 =	sadd.s32 $0xC80000, s7  }
0x10: {  	s9 =	sadd.s32 s29, s12;
	s7 =	sshrl.u32 s7, $0x3;
	s8 =	sshrl.u32 s30, $0x3  }
0x11: {  	s12 =	simm.s32 $0x200;
	s7 =	sadd.s32 s4, s7;
	s8 =	sadd.s32 s4, s8  }
.LBB2_1:
0x12: {  	[tilespmem:s2], [sflag:$0x5] =	stream.linear.gather [hbm4b:s5+s2], $0x6400, $0x38;
	[tilespmem:$0x16400] =	vst v63  }
0x13: {  	_ =	swait.ge [sflag:s11], $0x6400  }
0x14: {  	[sflag:s11] =	ssyncset.done $0x0  }
0x15: {  	[sflag:s11] =	ssyncadd.s32 $0xFFFF9C00  }
0x16: {  	[tilespmem:s13], [sflag:$0x1] =	stream.indirect.gather [hbm4b:s3+s12], $0x40, s2, s12, $0xb8;
	[tilespmem:$0x16400] =	vst v63  }
0x17: {  	_ =	swait.ge [sflag:s14], $0x8000  }
0x18: {  	[sflag:s14] =	ssyncset.done $0x0  }
0x19: {  	[sflag:s14] =	ssyncadd.s32 $0xFFFF8000  }
0x1a: {  	[hbm4b:s7+s15] =	stream.strided.scatter [tilespmem:s13], [sflag:$0x3], $0x8000, s13, s15, $0x38;
	[tilespmem:$0x16400] =	vst v63  }
0x1b: {  	_ = 	snop  }
0x1c: {  	[tilespmem:s16], [sflag:$0x2] =	stream.indirect.gather [hbm4b:s3+s12], $0x40, s12, s12, $0xb8;
	[tilespmem:$0x16400] =	vst v63  }
0x1d: {  	_ =	swait.ge [sflag:s17], $0x8000  }
0x1e: {  	[sflag:s17] =	ssyncset.done $0x0  }
0x1f: {  	[sflag:s17] =	ssyncadd.s32 $0xFFFF8000  }
0x20: {  	[hbm4b:s8+s15] =	stream.strided.scatter [tilespmem:s16], [sflag:$0x4], $0x8000, s13, s15, $0x38;
	[tilespmem:$0x16400] =	vst v63  }
0x21: {  	s21 =	sadd.s32 $0x400, s10;
	s22 =	sadd.s32 $0x20, s9;
	_ =	swait.ge [sflag:s18], $0x8000  }
0x22: {  	s25 =	simm.s32 $0x400;
	s23 =	sand.u32 $0xC00, s21;
	[sflag:s18] =	ssyncset.done $0x0  }
0x23: {  	s24 =	sand.u32 $0x7FFFFF80, s22;
	s23 =	smul.u32 $0x6400, s23;
	[sflag:s18] =	ssyncadd.s32 $0xFFFF8000  }
0x24: {  	[tilespmem:s13], [sflag:$0x1] =	stream.indirect.gather [hbm4b:s3+s12], $0x40, s25, s12, $0xb8;
	[tilespmem:$0x16400] =	vst v63  }
0x25: {  	s23 =	sadd.s32 s24, s23;
	_ =	swait.ge [sflag:s14], $0x8000  }
0x26: {  	s23 =	sshrl.u32 s23, $0x3;
	[sflag:s14] =	ssyncset.done $0x0  }
0x27: {  	s23 =	sadd.s32 s4, s23;
	[sflag:s14] =	ssyncadd.s32 $0xFFFF8000  }
0x28: {  	[hbm4b:s23+s15] =	stream.strided.scatter [tilespmem:s13], [sflag:$0x3], $0x8000, s13, s15, $0x38;
	[tilespmem:$0x16400] =	vst v63  }
0x29: {  	s28 =	simm.s32 $0x600;
	s29 =	sadd.s32 $0x600, s10;
	_ =	swait.ge [sflag:s19], $0x8000  }
0x2a: {  	s30 =	sadd.s32 $0x30, s9;
	s24 =	sand.u32 $0xE00, s29;
	[sflag:s19] =	ssyncset.done $0x0  }
0x2b: {  	s24 =	smul.u32 $0x6400, s24;
	s25 =	sand.u32 $0x7FFFFF80, s30;
	[sflag:s19] =	ssyncadd.s32 $0xFFFF8000  }
0x2c: {  	[tilespmem:s16], [sflag:$0x2] =	stream.indirect.gather [hbm4b:s3+s12], $0x40, s28, s12, $0xb8;
	[tilespmem:$0x16400] =	vst v63  }
0x2d: {  	s31 =	sadd.s32 s25, s24;
	_ =	swait.ge [sflag:s17], $0x8000  }
0x2e: {  	s24 =	sshrl.u32 s31, $0x3;
	[sflag:s17] =	ssyncset.done $0x0  }
0x2f: {  	s24 =	sadd.s32 s4, s24;
	s23 =	simm.s32 $0x1000;
	[sflag:s17] =	ssyncadd.s32 $0xFFFF8000  }
.LBB2_2:
0x30: {  	s25 =	sshra.s32 s23, $0x2;
	p0 =	sne.s32 s23, $0x17000  }
0x31: {  	s23 =	sadd.s32 $0x1000, s23;
	s26 =	smov.u32 s21;
	s28 =	smov.u32 s22  }
0x32: {  	[hbm4b:s24+s15] =	stream.strided.scatter [tilespmem:s16], [sflag:$0x4], $0x8000, s13, s15, $0x38;
	[tilespmem:$0x16400] =	vst v63  }
0x33: {  	s21 =	sadd.s32 $0x400, s21;
	s22 =	sadd.s32 $0x20, s22;
	_ =	swait.ge [sflag:s18], $0x8000  }
0x34: {  	s24 =	sand.u32 $0xC00, s21;
	s29 =	sand.u32 $0x7FFFFF80, s22;
	[sflag:s18] =	ssyncset.done $0x0  }
0x35: {  	s30 =	sadd.s32 $0x400, s25;
	s24 =	smul.u32 $0x6400, s24;
	[sflag:s18] =	ssyncadd.s32 $0xFFFF8000  }
0x36: {  	[tilespmem:s13], [sflag:$0x1] =	stream.indirect.gather [hbm4b:s3+s12], $0x40, s30, s12, $0xb8;
	[tilespmem:$0x16400] =	vst v63  }
0x37: {  	s24 =	sadd.s32 s29, s24;
	_ =	swait.ge [sflag:s14], $0x8000  }
0x38: {  	s24 =	sshrl.u32 s24, $0x3;
	[sflag:s14] =	ssyncset.done $0x0  }
0x39: {  	s24 =	sadd.s32 s4, s24;
	[sflag:s14] =	ssyncadd.s32 $0xFFFF8000  }
0x3a: {  	[hbm4b:s24+s15] =	stream.strided.scatter [tilespmem:s13], [sflag:$0x3], $0x8000, s13, s15, $0x38;
	[tilespmem:$0x16400] =	vst v63  }
0x3b: {  	s24 =	sadd.s32 $0x600, s25;
	s25 =	sadd.s32 $0x600, s26  }
0x3c: {  	_ =	swait.ge [sflag:s19], $0x8000;
	s25 =	sand.u32 $0xE00, s25  }
0x3d: {  	s26 =	sadd.s32 $0x30, s28;
	[sflag:s19] =	ssyncset.done $0x0;
	s25 =	smul.u32 $0x6400, s25  }
.Ltmp0:
0x3e: {  	s26 =	sand.u32 $0x7FFFFF80, s26;
	[sflag:s19] =	ssyncadd.s32 $0xFFFF8000;
	(pc) =	sbr.rel @p0 .LBB2_2-.Ltmp0, $4  }
0x3f: {  	[tilespmem:s16], [sflag:$0x2] =	stream.indirect.gather [hbm4b:s3+s12], $0x40, s24, s12, $0xb8;
	[tilespmem:$0x16400] =	vst v63  }
0x40: {  	s24 =	sadd.s32 s26, s25;
	_ =	swait.ge [sflag:s17], $0x8000  }
0x41: {  	s24 =	sshrl.u32 s24, $0x3;
	[sflag:s17] =	ssyncset.done $0x0  }
0x42: {  	s24 =	sadd.s32 s4, s24;
	[sflag:s17] =	ssyncadd.s32 $0xFFFF8000  }
0x43: {  	[hbm4b:s24+s15] =	stream.strided.scatter [tilespmem:s16], [sflag:$0x4], $0x8000, s13, s15, $0x38;
	[tilespmem:$0x16400] =	vst v63  }
0x44: {  	s20 =	sadd.s32 $0x1, s20  }
0x45: {  	_ =	swait.ge [sflag:s18], $0x8000;
	p0 =	sne.s32 s20, s6  }
.Ltmp1:
0x46: {  	[sflag:s18] =	ssyncset.done $0x0;
	(pc) =	sbr.rel @p0 .LBB2_1-.Ltmp1, $4  }
0x47: {  	[sflag:s18] =	ssyncadd.s32 $0xFFFF8000  }
0x48: {  	_ =	swait.ge [sflag:s19], $0x8000  }
0x49: {  	[sflag:s19] =	ssyncset.done $0x0  }
0x4a: {  	[sflag:s19] =	ssyncadd.s32 $0xFFFF8000  }
0x4b: {  	_ =	sfence.sel $0x180000  }
0x4c: {  	[bflag:$0x0] =	sbarrier.arrive $0xFFFF  }
0x4d: {  	p0 =	sne.s32 s1, $0x0;
	_ =	strace $0x90000047  }
0x4e: {  	s0 =	sadd.s32 @!p0 $0x100000, s0;
	[bflag:$0x2] =	sbarrier.arrive $0xFFFF  }
0x4f: {  	[sflag:s0] =	ssyncadd.tile.s32 @!p0 $0x1;
	_ =	shalt  }
.Lfunc_end2:
_tile_overlayer_lowered:
.L_overlay_start_2:
0x50: {  	(tag) =	ssettag $0x2  }
0x51: {  	s0 =	rddreg [dreg:$0x0];
	s2 =	stileid.u32  }
0x52: {  	s1 =	rddreg [dreg:$0x1];
	p0 =	sne.s32 s2, $0x0  }
0x53: {  	s3 =	rddreg [dreg:$0x2];
	[bflag:$0x3] =	sbarrier.arrive $0xFFFF;
	s2 =	simm.s32 @!p0 $0x1C05  }
0x54: {  	[timem:s3], [sflag:s2] =	dma.local @!p0 [hbm:s0], s1  }
0x55: {  	s0 =	simm.s32 @!p0 $0x5  }
0x56: {  	_ =	swait.ge @!p0 [sflag:s0], s1  }
0x57: {  	s1 =	ssub.s32 @!p0 $0x0, s1;
	[sflag:s0] =	ssyncset.done @!p0 $0x0  }
0x58: {  	[sflag:s0] =	ssyncadd.s32 @!p0 s1  }
0x59: {  	[bflag:$0x3] =	sbarrier.arrive $0xFFFF  }
0x5a: {  	_ =	shalt  }

// kernel: sparse-core-data-format-call.cloned.1.call-start
scs
called_computation_lowered:
.L_overlay_start_0:
0x0: {  	s2 =	sld [smem:$0x3FD9]  }
0x1: {  	s3 =	sld [smem:$0x3FFE];
	_ =	sdelay $0x1  }
0x2: {  	s1 =	srdreg.scid  }
0x3: {  	s0 =	sand.u32 $0x1, s1  }
0x4: {  	s18 =	sshll.u32 s0, $0xA;
	s2 =	sadd.s32 s3, s2  }
0x5: {  	s2 =	sadd.s32 s2, s18  }
0x6: {  	[smem:$0x3FC6] =	sst s2  }
0x7: {  	_ = 	snop  }
0x8: {  	s2 =	sld [smem:$0x3FD0];
	(tm) =	ssettm $0x1  }
0x9: {  	s19 =	sld [smem:$0x3FFB];
	_ =	sdelay $0x3  }
0xa: {  	_ =	strace s19  }
0xb: {  	s3 =	sld [smem:$0x3FFC];
	_ =	sdelay $0x3  }
0xc: {  	_ =	strace s3  }
0xd: {  	s3 =	sld [smem:$0x3FFD];
	_ =	sdelay $0x3  }
0xe: {  	_ =	strace s3  }
0xf: {  	_ =	strace $0x8FFFFFFF  }
0x10: {  	s20 =	sld [smem:$0x3FDB];
	_ =	sdelay $0x1  }
0x11: {  	s4 =	simm.s32 $_scs_section_size  }
0x12: {  	s5 =	simm.s32 $_size__tile_overlayer_lowered;
	s6 =	simm.s32 $_tile_overlayer_lowered  }
0x13: {  	s23 =	simm.s32 $0x1BFF;
	s22 =	sshll.u32 s6, $0x1;
	s3 =	sadd.s32 s4, s20  }
0x14: {  	s7 =	simm.s32 $0x0;
	s21 =	sshll.u32 s5, $0x1;
	s5 =	sadd.s32 s22, s3  }
0x15: {  	[timem:s7], [sflag:s23] =	dma.local [hbm:s5], s21  }
0x16: {  	_ =	swait.ge [sflag:s23], s21  }
0x17: {  	s4 =	ssub.s32 $0x0, s21;
	[sflag:s23] =	ssyncset.done $0x0  }
0x18: {  	[sflag:s23] =	ssyncadd.s32 s4;
	_ =	sdelay $0x1  }
0x19: {  	s24 =	simm.s32 $0x1B8B  }
0x1a: {  	_ =	swait.ge [sflag:s24], $0x1  }
0x1b: {  	[sflag:s24] =	ssyncset.done $0x0  }
0x1c: {  	s26 =	simm.s32 $0x1B8E;
	s25 =	sld [smem:$0x3FFE];
	[sflag:s24] =	ssyncadd.s32 $0xFFFFFFFF  }
0x1d: {  	s27 =	simm.s32 $execute0_lowered;
	[smem:$0x3FD2] =	sst s26  }
0x1e: {  	s5 =	sshll.u32 s27, $0x1;
	_ =	strace $0x80000049;
	[dreg:$0x1] =	wrdreg $0xFFFFFFFF  }
0x1f: {  	s28 =	simm.s32 $_size_execute0_lowered;
	s3 =	sadd.s32 s3, s5;
	[dreg:$0x0] =	wrdreg $0x0  }
0x20: {  	s5 =	sshll.u32 s28, $0x1;
	[dreg:$0x2] =	wrdreg s3  }
0x21: {  	[dreg:$0x3] =	wrdreg s5  }
0x22: {  	[dreg:$0x4] =	wrdreg $0xC0  }
0x23: {  	_ =	task [dreg:s7], $0x5FFFF  }
0x24: {  	[dreg:$0x1] =	wrdreg $0xFFFFFFFF  }
0x25: {  	[dreg:$0x0] =	wrdreg $0x60  }
0x26: {  	[dreg:$0x2] =	wrdreg s25  }
0x27: {  	[dreg:$0x3] =	wrdreg s2  }
0x28: {  	[dreg:$0x4] =	wrdreg $0x9  }
0x29: {  	_ =	task.clear_ibuf [dreg:s7], $0x5FFFF;
	_ =	strace $0x90000049  }
0x2a: {  	s29 =	simm.s32 $0x9;
	_ =	strace $0x8000004B  }
0x2b: {  	_ =	swait.ge [sflag:s29], $0x1  }
0x2c: {  	[sflag:s29] =	ssyncadd.s32 $0xFFFFFFFF  }
0x2d: {  	_ =	strace $0x9000004B  }
0x2e: {  	_ =	sfence  }
0x2f: {  	s30 =	sld [smem:$0x0];
	_ =	sdelay $0x2  }
0x30: {  	s31 =	sshll.u32 s1, $0xD;
	s1 =	sshrl.u32 s1, $0x2  }
0x31: {  	s3 =	sand.u32 $0x4000, s31;
	s1 =	sadd.s32 s1, s30  }
0x32: {  	s0 =	sor.u32 s3, s0;
	s1 =	sshll.u32 s1, $0x11  }
0x33: {  	s0 =	sor.u32 s1, s0  }
0x34: {  	s0 =	sadd.s32 $0x8F2B, s0  }
0x35: {  	[sflag:s0] =	ssyncadd.remote.s32 $0x1  }
0x36: {  	_ =	sfence.sel $0xFFFF  }
0x37: {  	[dreg:$0x0] =	wrdreg $0xFFFFFFFF;
	(pc) =	sbr.abs _section_cstart, $3  }
0x38: {  	[dreg:$0x1] =	wrdreg $0xFFFFFFFF  }
0x39: {  	_ =	task.clear_ibuf [dreg:s7], $0x2FFFF;
	_ =	strace $0x9FFFFFFF  }
0x3a: {  	(tm) =	ssettm $0x7FFFFFFF  }
0x3b: {  	_ =	shalt  }
tec
execute0_lowered:
.L_overlay_start_1:
0x0: {  	(tag) =	ssettag $0x1  }
0x1: {  	s0 =	srdreg.scid  }
0x2: {  	s1 =	sshll.u32 s0, $0x4  }
0x3: {  	s0 =	stileid.u32;
	s1 =	sand.u32 $0x10, s1  }
0x4: {  	s1 =	sor.u32 s0, s1  }
0x5: {  	s6 =	rddreg [dreg:$0x0];
	s4 =	simm.s32 $0x1;
	s2 =	sshll.u32 s1, $0x7  }
0x6: {  	s7 =	simm.s32 $0x2;
	s12 =	simm.s32 $0x0;
	s1 =	ssub.s32 $0x1000, s2  }
0x7: {  	s8 =	simm.s32 $0x8000;
	s13 =	simm.s32 $0x0;
	s3 =	sand.u32 $0xF80, s1  }
0x8: {  	s9 =	simm.s32 $0x0;
	s5 =	sshrl.u32 s1, $0xC;
	p0 =	sne.s32 s3, $0x0  }
.Ltmp0:
0x9: {  	s1 =	rddreg [dreg:$0x2];
	s4 =	simm.s32 @!p0 $0x0;
	(pc) =	sbr.rel .LBB1_1-.Ltmp0, $4  }
0xa: {  	s11 =	simm.s32 $0x0;
	s3 =	rddreg [dreg:$0x1];
	s5 =	sadd.s32 s4, s5  }
0xb: {  	_ =	strace $0x8000004A;
	s4 =	simm.s32 $0x1;
	s5 =	smul.u32 $0xC8, s5  }
0xc: {  	s6 =	sadd.s32 $0xA00, s6;
	s10 =	smov.u32 s2;
	[sflag:s4] =	ssyncpa.u1 $0x0  }
0xd: {  	p0 =	por $0x0, $0x0;
	[sflag:s7] =	ssyncpa.u1 $0x0;
	s7 =	sor.u32 $0x1, s5  }
.LBB1_4:
0xe: {  	s16 =	sshll.u32 s13, $0x3;
	s17 =	sand.u32 $0x78, s13  }
0xf: {  	s30 =	sand.u32 $0x7E00, s13;
	s12 =	sshll.u32 s12, $0xF;
	s16 =	sand.u32 $0xC00, s16  }
0x10: {  	[tilespmem:s15+$0x810 ss:$0x81] =	vst.msk $0xffff, v2;
	s31 =	sand.u32 $0x7, s13;
	s16 =	sor.u32 s17, s16;
	s17 =	sadd.s32 s3, s30  }
0x11: {  	[tilespmem:s15+$0x1020 ss:$0x81] =	vst.msk $0xffff, v0;
	s13 =	sshll.u32 s31, $0x12;
	s12 =	sadd.s32 s12, s17;
	s16 =	sshrl.u32 s16, $0x3  }
0x12: {  	[tilespmem:s15+$0x0 ss:$0x81] =	vst.msk $0xffff, v1;
	s13 =	sor.u32 $0x400, s13;
	s12 =	sadd.s32 s16, s12  }
0x13: {  	[hbm4b:s12+s13] =	stream.strided.scatter [tilespmem:s14], [sflag:$0x2], $0x2000, s8, s13, $0x20;
	[tilespmem:$0x8080] =	vst v63  }
.LBB1_5:
0x14: {  	s14 =	sadd.s32 $0x1, s9  }
0x15: {  	s12 =	sadd.s32 $0x1000, s10;
	s16 =	smov.u32 s10;
	p2 =	sgt.s32 s14, $0xC7  }
0x16: {  	s16 =	smov.u32 @p2 s12  }
0x17: {  	s14 =	simm.s32 @p2 $0x0;
	p2 =	sgt.s32 s16, $0xFFF  }
0x18: {  	s16 =	smov.u32 @p2 s2;
	p2 =	sne.s32 s11, s7  }
.Ltmp1:
0x19: {  	p1 =	slt.u32 s11, $0x2;
	(pc) =	sbr.rel @!p2 .LBB1_6-.Ltmp1, $4  }
0x1a: {  	s15 =	simm.s32 @!p1 $0x2  }
0x1b: {  	s13 =	smov.u32 s10;
	p0 =	por !p0, !p0;
	_ =	swait.ge @!p1 [sflag:s15], $0x2000  }
0x1c: {  	s12 =	smov.u32 s9;
	[sflag:s15] =	ssyncset.done @!p1 $0x0;
	s9 =	smov.u32 s14  }
0x1d: {  	s11 =	sadd.s32 $0x1, s11;
	[sflag:s15] =	ssyncadd.s32 @!p1 $0xFFFFE000;
	s10 =	smov.u32 s16  }
.LBB1_1:
0x1e: {  	p1 =	sge.u32 s11, s5  }
0x1f: {  	s14 =	sand.u32 @!p1 $0x1FFFFFF, s9  }
0x20: {  	s15 =	smulhi.u32 @!p1 $0x147AE15, s14;
	_ =	sdelay $0x1  }
0x21: {  	s15 =	smul.u32 @!p1 $0xC8, s15  }
0x22: {  	s16 =	sxor.u32 @!p1 $0xFFFFFFFF, s11;
	s17 =	smul.u32 @!p1 $0xC80, s10  }
0x23: {  	s31 =	sadd.s32 $0xFFFFFFFF, s11;
	s16 =	sshll.u32 @!p1 s16, $0xD;
	s14 =	ssub.s32 @!p1 s14, s15  }
0x24: {  	s15 =	sand.u32 @!p1 $0x2000, s16;
	s16 =	sadd.s32 @!p1 s6, s17;
	s14 =	sshll.u32 @!p1 s14, $0x4  }
0x25: {  	s17 =	simm.s32 @!p1 $0x6400;
	s14 =	sadd.s32 @!p1 s14, s16;
	s16 =	simm.s32 @!p1 $0x40  }
0x26: {  	[tilespmem:s15], [sflag:$0x1] =	stream.strided.gather @!p1 [hbm4b:s14+s16], $0x2000, s17, s16, $0x38;
	[tilespmem:$0x8080] =	vst v63  }
0x27: {  	p1 =	sge.u32 s31, s5  }
.Ltmp2:
0x28: {  	_ = 	snop;
	(pc) =	sbr.rel @p1 .LBB1_5-.Ltmp2, $1  }
0x29: {  	_ =	sdelay $0x3  }
0x2a: {  	s14 =	simm.s32 $0x1  }
0x2b: {  	_ =	swait.ge [sflag:s4], $0x2000;
	s14 =	simm.s32 @!p0 $0x0  }
0x2c: {  	[sflag:s4] =	ssyncset.done $0x0;
	s15 =	sshll.u32 s14, $0xD  }
0x2d: {  	[sflag:s4] =	ssyncadd.s32 $0xFFFFE000;
	s18 =	sor.u32 $0x20, s15  }
0x2e: {  	s14 =	smul.u32 $0x8100, s14;
	v3 =	vld [tilespmem:s18+$0x10]  }
0x2f: {  	s30 =	sand.u32 $0x1, s11;
	v2 =	vld [tilespmem:s18+$0xFFFFFFF0]  }
0x30: {  	s15 =	smul.u32 $0x8100, s30;
	s14 =	sshrl.u32 s14, $0x2;
	v0 =	vld [tilespmem:s18+$0x0]  }
0x31: {  	v1 =	vld [tilespmem:s18+$0xFFFFFFE0];
	s16 =	sor.u32 $0x4000, s14  }
0x32: {  	s31 =	sshrl.u32 s15, $0x2;
	s15 =	sadd.s32 $0x0, s16  }
0x33: {  	s17 =	simm.s32 $0x4;
	s18 =	sadd.s32 $0x40, s18;
	s14 =	sor.u32 $0x4000, s31;
	[tilespmem:s15+$0x1830 ss:$0x81] =	vst.msk $0xffff, v3  }
.LBB1_3:
0x34: {  	v3 =	vld [tilespmem:s18+$0x10];
	p1 =	sne.s32 s17, $0x1FC;
	[tilespmem:s15+$0x810 ss:$0x81] =	vst.msk $0xffff, v2;
	s19 =	smov.u32 s17;
	s17 =	sadd.s32 $0x4, s17  }
.Ltmp3:
0x35: {  	v2 =	vld [tilespmem:s18+$0xFFFFFFF0];
	[tilespmem:s15+$0x1020 ss:$0x81] =	vst.msk $0xffff, v0;
	(pc) =	sbr.rel @p1 .LBB1_3-.Ltmp3, $4  }
0x36: {  	v0 =	vld [tilespmem:s18+$0x0];
	[tilespmem:s15+$0x0 ss:$0x81] =	vst.msk $0xffff, v1  }
0x37: {  	s15 =	sshra.s32 s19, $0x2;
	v1 =	vld [tilespmem:s18+$0xFFFFFFE0]  }
0x38: {  	s15 =	sadd.s32 s15, s16  }
0x39: {  	s18 =	sadd.s32 $0x40, s18;
	[tilespmem:s15+$0x1830 ss:$0x81] =	vst.msk $0xffff, v3  }
.Ltmp4:
0x3a: {  	_ = 	snop;
	(pc) =	sbr.rel .LBB1_4-.Ltmp4, $1  }
0x3b: {  	_ =	sdelay $0x3  }
.LBB1_6:
0x3c: {  	_ =	sfence.sel $0x180000  }
0x3d: {  	s2 =	simm.s32 $0x1;
	[bflag:$0x0] =	sbarrier.arrive $0xFFFF  }
0x3e: {  	s31 =	simm.s32 $0x2;
	[sflag:s2] =	ssyncpa.u1 $0x1  }
0x3f: {  	[sflag:s31] =	ssyncpa.u1 $0x1  }
0x40: {  	p0 =	sne.s32 s0, $0x0;
	_ =	strace $0x9000004A  }
0x41: {  	s0 =	sadd.s32 @!p0 $0x100000, s1;
	[bflag:$0x2] =	sbarrier.arrive $0xFFFF  }
0x42: {  	[sflag:s0] =	ssyncadd.tile.s32 @!p0 $0x1;
	_ =	shalt  }
.Lfunc_end1:
_tile_overlayer_lowered:
.L_overlay_start_2:
0x43: {  	(tag) =	ssettag $0x2  }
0x44: {  	s0 =	rddreg [dreg:$0x0];
	s2 =	stileid.u32  }
0x45: {  	s1 =	rddreg [dreg:$0x1];
	p0 =	sne.s32 s2, $0x0  }
0x46: {  	s3 =	rddreg [dreg:$0x2];
	[bflag:$0x3] =	sbarrier.arrive $0xFFFF;
	s2 =	simm.s32 @!p0 $0x1C01  }
0x47: {  	[timem:s3], [sflag:s2] =	dma.local @!p0 [hbm:s0], s1  }
0x48: {  	s0 =	simm.s32 @!p0 $0x1  }
0x49: {  	_ =	swait.ge @!p0 [sflag:s0], s1  }
0x4a: {  	s1 =	ssub.s32 @!p0 $0x0, s1;
	[sflag:s0] =	ssyncset.done @!p0 $0x0  }
0x4b: {  	[sflag:s0] =	ssyncadd.s32 @!p0 s1  }
0x4c: {  	[bflag:$0x3] =	sbarrier.arrive $0xFFFF  }
0x4d: {  	_ =	shalt  }

</sc_bundles>
